<compile_context>
chip_gen: v7x
topology: tpu7x:2x2x1
jax: 0.10.2.dev20260603
libtpu: 0.0.44.dev20260713+nightly
codegen_flags: <defaults>
</compile_context>

<pallas_src>
import functools

import jax
import jax.numpy as jnp
from jax import lax
from jax.experimental import pallas as pl
from jax.experimental.pallas import tpu as pltpu
from jax.experimental.pallas import tpu_sc as plsc

HID = 128
EPS = 1e-12

_SC_INFO = plsc.get_sparse_core_info()
_NC = _SC_INFO.num_cores
_NS = _SC_INFO.num_subcores
_NW = _NC * _NS

_CHUNK = 128


def _gather_body(chunks_per_row, ids_hbm, table_hbm, out_hbm,
                 idx0, idx1, rows0, rows1, gsem0, gsem1, wsem):
    wid = lax.axis_index("s") * _NC + lax.axis_index("c")
    row = wid // chunks_per_row
    col = (wid % chunks_per_row) * (2 * _CHUNK)
    base = wid * (2 * _CHUNK)
    pltpu.sync_copy(ids_hbm.at[row, pl.ds(col, _CHUNK)], idx0)
    g0 = pltpu.async_copy(table_hbm.at[idx0], rows0, gsem0)
    pltpu.sync_copy(ids_hbm.at[row, pl.ds(col + _CHUNK, _CHUNK)], idx1)
    g1 = pltpu.async_copy(table_hbm.at[idx1], rows1, gsem1)
    g0.wait()
    w0 = pltpu.async_copy(rows0, out_hbm.at[pl.ds(base, _CHUNK)], wsem)
    g1.wait()
    w1 = pltpu.async_copy(rows1, out_hbm.at[pl.ds(base + _CHUNK, _CHUNK)],
                          wsem)
    w0.wait()
    w1.wait()


def _sc_gather(ids, word_emb):
    batch, seq = ids.shape
    n_tokens = batch * seq
    assert n_tokens == _NW * 2 * _CHUNK
    chunks_per_row = seq // (2 * _CHUNK)
    mesh = plsc.VectorSubcoreMesh(core_axis_name="c", subcore_axis_name="s")
    k = functools.partial(
        pl.kernel,
        mesh=mesh,
        out_type=jax.ShapeDtypeStruct((n_tokens, HID), jnp.float32),
        scratch_types=[
            pltpu.VMEM((_CHUNK,), jnp.int32),
            pltpu.VMEM((_CHUNK,), jnp.int32),
            pltpu.VMEM((_CHUNK, HID), jnp.float32),
            pltpu.VMEM((_CHUNK, HID), jnp.float32),
            pltpu.SemaphoreType.DMA,
            pltpu.SemaphoreType.DMA,
            pltpu.SemaphoreType.DMA,
        ],
    )(functools.partial(_gather_body, chunks_per_row))
    return k(ids, word_emb)


def _tc_body(blk, seq, x_ref, pos_ref, type_ref, gamma_ref, beta_ref, w_ref,
             b_ref, out_ref):
    per_seq = seq // blk
    s = lax.rem(pl.program_id(0), per_seq) * blk
    x = x_ref[...] + pos_ref[pl.ds(s, blk), :] + type_ref[0:1, :]
    mean = jnp.mean(x, axis=-1, keepdims=True)
    xc = x - mean
    var = jnp.mean(xc * xc, axis=-1, keepdims=True)
    normed = xc * lax.rsqrt(var + EPS)
    y = normed * gamma_ref[...] + beta_ref[...]
    out_ref[...] = lax.dot_general(
        y, w_ref[...], (((1,), (1,)), ((), ())),
        preferred_element_type=jnp.float32) + b_ref[...]


def kernel(input_ids, word_emb, pos_emb, type_emb, ln_gamma, ln_beta, W, b):
    batch, seq = input_ids.shape
    gathered = _sc_gather(input_ids, word_emb)

    gamma = ln_gamma.reshape(1, HID)
    beta = ln_beta.reshape(1, HID)
    bias = b.reshape(1, HID)

    blk = 2048
    n_blk = (batch * seq) // blk
    out = pl.pallas_call(
        functools.partial(_tc_body, blk, seq),
        grid=(n_blk,),
        in_specs=[
            pl.BlockSpec((blk, HID), lambda i: (i, 0)),
            pl.BlockSpec((seq, HID), lambda i: (0, 0)),
            pl.BlockSpec((2, HID), lambda i: (0, 0)),
            pl.BlockSpec((1, HID), lambda i: (0, 0)),
            pl.BlockSpec((1, HID), lambda i: (0, 0)),
            pl.BlockSpec((HID, HID), lambda i: (0, 0)),
            pl.BlockSpec((1, HID), lambda i: (0, 0)),
        ],
        out_specs=pl.BlockSpec((blk, HID), lambda i: (i, 0)),
        out_shape=jax.ShapeDtypeStruct((batch * seq, HID), jnp.float32),
    )(gathered, pos_emb, type_emb, gamma, beta, W, bias)

    return out.reshape(batch, seq, HID)

# --- scband reference (transcript-rebuilt; emitter-appended) ---
"""Pipeline reference for scband-fnet-embeddings-54958401520183 (READ-ONLY COPY).

The authoritative reference and input builder live on the scoring server;
editing this copy changes nothing except your own understanding.
"""

import jax, jax.numpy as jnp
import numpy as np

VOCAB = 100000
HID = 128
MAX_POS = 2048
TYPE_VOCAB = 2
EPS = 1e-12
B, S = 4, 2048


def setup_inputs(seed: int = 0) -> dict:
    key = jax.random.key(seed)
    ks = jax.random.split(key, 6)
    input_ids = jax.random.randint(ks[0], (B, S), 0, VOCAB, dtype=jnp.int64) if jax.config.read('jax_enable_x64') else jax.random.randint(ks[0], (B, S), 0, VOCAB, dtype=jnp.int32)
    word_emb = jax.random.normal(ks[1], (VOCAB, HID), dtype=jnp.float32) * 0.02
    pos_emb = jax.random.normal(ks[2], (MAX_POS, HID), dtype=jnp.float32) * 0.02
    type_emb = jax.random.normal(ks[3], (TYPE_VOCAB, HID), dtype=jnp.float32) * 0.02
    ln_gamma = jnp.ones((HID,), dtype=jnp.float32)
    ln_beta = jnp.zeros((HID,), dtype=jnp.float32)
    W = jax.random.normal(ks[4], (HID, HID), dtype=jnp.float32) * 0.02
    b = jnp.zeros((HID,), dtype=jnp.float32)
    return {
        'input_ids': input_ids,
        'word_emb': word_emb,
        'pos_emb': pos_emb,
        'type_emb': type_emb,
        'ln_gamma': ln_gamma,
        'ln_beta': ln_beta,
        'W': W,
        'b': b,
    }


def reference(input_ids, word_emb, pos_emb, type_emb, ln_gamma, ln_beta, W, b):
    seq_length = input_ids.shape[1]
    # word embedding lookup (gather)
    word_embeddings = jnp.take(word_emb, input_ids, axis=0)
    # token_type_ids are all zeros
    token_type_ids = jnp.zeros_like(input_ids)
    token_type_embeddings = jnp.take(type_emb, token_type_ids, axis=0)
    # position embeddings
    position_embeddings = pos_emb[None, :seq_length, :]
    embeddings = word_embeddings + position_embeddings + token_type_embeddings
    # LayerNorm
    mean = jnp.mean(embeddings, axis=-1, keepdims=True)
    var = jnp.mean(jnp.square(embeddings - mean), axis=-1, keepdims=True)
    normed = (embeddings - mean) / jnp.sqrt(var + EPS)
    embeddings = normed * ln_gamma + ln_beta
    # hidden_mapping linear: x @ W.T + b
    embeddings = jnp.einsum('bsh,oh->bso', embeddings, W) + b
    # dropout is identity in eval mode
    return embeddings

if __name__ == "__main__":
    import jax
    _d = setup_inputs()
    print(jax.jit(kernel)(*tuple(_d.values())))

</pallas_src>

<mosaic_0001>
#map = affine_map<(d0, d1) -> (0, 0)>
module attributes {stable_mosaic.version = 14 : i64} {
  func.func @_gather_body(%arg0: i32, %arg1: i32, %arg2: memref<4x2048xi32, #tpu.memory_space<hbm>>, %arg3: memref<100000x128xf32, #tpu.memory_space<hbm>>, %arg4: memref<8192x128xf32, #tpu.memory_space<hbm>>, %arg5: memref<128xi32, #tpu.memory_space<vmem>>, %arg6: memref<128xi32, #tpu.memory_space<vmem>>, %arg7: memref<128x128xf32, #tpu.memory_space<vmem>>, %arg8: memref<128x128xf32, #tpu.memory_space<vmem>>, %arg9: memref<!tpu.dma_semaphore, #tpu.memory_space<semaphore_mem>>, %arg10: memref<!tpu.dma_semaphore, #tpu.memory_space<semaphore_mem>>, %arg11: memref<!tpu.dma_semaphore, #tpu.memory_space<semaphore_mem>>) attributes {dimension_semantics = [#tpu.dimension_semantics<core_parallel>, #tpu.dimension_semantics<subcore_parallel>], iteration_bounds = array<i64: 2, 16>, scalar_prefetch = 0 : i64, scratch_operands = 7 : i64, tpu.core_type = #tpu.core_type<sc_vector_subcore>, window_params = [{transform_indices = #map}, {transform_indices = #map}, {transform_indices = #map}]} {
    %mul3A = arith.constant 2 : i32
    %mul3A_0 = arith.muli %arg1, %mul3A : i32
    %add3A = arith.addi %mul3A_0, %arg0 : i32
    %jit3A = arith.constant 8 : i32
    %div3A = arith.divsi %add3A, %jit3A : i32
    %sign3A = arith.constant 0 : i32
    %sign3A_1 = arith.cmpi sgt, %add3A, %sign3A : i32
    %sign3A_2 = arith.extui %sign3A_1 : i1 to i32
    %sign3A_3 = arith.constant 0 : i32
    %sign3A_4 = arith.cmpi slt, %add3A, %sign3A_3 : i32
    %sign3A_5 = arith.extui %sign3A_4 : i1 to i32
    %sign3A_6 = arith.subi %sign3A_2, %sign3A_5 : i32
    %sign3A_7 = arith.constant 0 : i32
    %sign3A_8 = arith.cmpi sgt, %jit3A, %sign3A_7 : i32
    %sign3A_9 = arith.extui %sign3A_8 : i1 to i32
    %sign3A_10 = arith.constant 0 : i32
    %sign3A_11 = arith.cmpi slt, %jit3A, %sign3A_10 : i32
    %sign3A_12 = arith.extui %sign3A_11 : i1 to i32
    %sign3A_13 = arith.subi %sign3A_9, %sign3A_12 : i32
    %ne3A = arith.cmpi ne, %sign3A_6, %sign3A_13 : i32
    %rem3A = arith.remsi %add3A, %jit3A : i32
    %ne3A_14 = arith.constant 0 : i32
    %ne3A_15 = arith.cmpi ne, %rem3A, %ne3A_14 : i32
    %and3A = arith.andi %ne3A, %ne3A_15 : i1
    %sub3A = arith.constant 1 : i32
    %sub3A_16 = arith.subi %div3A, %sub3A : i32
    %select_n3A = arith.select %and3A, %sub3A_16, %div3A : i32
    %jit3A_17 = arith.constant 8 : i32
    %eq3A = arith.constant 0 : i32
    %eq3A_18 = arith.cmpi eq, %jit3A_17, %eq3A : i32
    %jit3A_19 = arith.constant 1 : i32
    %select_n3A_20 = arith.select %eq3A_18, %jit3A_19, %jit3A_17 : i32
    %rem3A_21 = arith.remsi %add3A, %select_n3A_20 : i32
    %ne3A_22 = arith.constant 0 : i32
    %ne3A_23 = arith.cmpi ne, %rem3A_21, %ne3A_22 : i32
    %lt3A = arith.constant 0 : i32
    %lt3A_24 = arith.cmpi slt, %rem3A_21, %lt3A : i32
    %lt3A_25 = arith.constant 0 : i32
    %lt3A_26 = arith.cmpi slt, %select_n3A_20, %lt3A_25 : i32
    %ne3A_27 = arith.xori %lt3A_24, %lt3A_26 : i1
    %and3A_28 = arith.andi %ne3A_27, %ne3A_23 : i1
    %add3A_29 = arith.addi %rem3A_21, %select_n3A_20 : i32
    %select_n3A_30 = arith.select %and3A_28, %add3A_29, %rem3A_21 : i32
    %mul3A_31 = arith.constant 256 : i32
    %mul3A_32 = arith.muli %select_n3A_30, %mul3A_31 : i32
    %mul3A_33 = arith.constant 256 : i32
    %mul3A_34 = arith.muli %add3A, %mul3A_33 : i32
    "tpu.region"() ({
      %run_scoped3A = tpu.sem_alloc : memref<!tpu.dma_semaphore, #tpu.memory_space<semaphore_mem>>
      %dma_start3A_65 = tpu.memref_slice %arg2[%select_n3A, %mul3A_32] : memref<4x2048xi32, #tpu.memory_space<hbm>> -> memref<1x128xi32, #tpu.memory_space<hbm>>
      %dma_start3A_66 = tpu.memref_squeeze %dma_start3A_65 : memref<1x128xi32, #tpu.memory_space<hbm>> -> memref<128xi32, #tpu.memory_space<hbm>>
      %dma_start3A_67 = tpu.memref_slice %arg2[%select_n3A, %mul3A_32] : memref<4x2048xi32, #tpu.memory_space<hbm>> -> memref<1x128xi32, #tpu.memory_space<hbm>>
      %dma_start3A_68 = tpu.memref_squeeze %dma_start3A_67 : memref<1x128xi32, #tpu.memory_space<hbm>> -> memref<128xi32, #tpu.memory_space<hbm>>
      tpu.enqueue_dma source(%dma_start3A_68 : memref<128xi32, #tpu.memory_space<hbm>>) target(%arg5 : memref<128xi32, #tpu.memory_space<vmem>>) target_semaphore(%run_scoped3A : memref<!tpu.dma_semaphore, #tpu.memory_space<semaphore_mem>>)
      %dma_wait3A_69 = tpu.memref_slice %arg2[%select_n3A, %mul3A_32] : memref<4x2048xi32, #tpu.memory_space<hbm>> -> memref<1x128xi32, #tpu.memory_space<hbm>>
      %dma_wait3A_70 = tpu.memref_squeeze %dma_wait3A_69 : memref<1x128xi32, #tpu.memory_space<hbm>> -> memref<128xi32, #tpu.memory_space<hbm>>
      %dma_wait3A_71 = tpu.memref_slice %arg2[%select_n3A, %mul3A_32] : memref<4x2048xi32, #tpu.memory_space<hbm>> -> memref<1x128xi32, #tpu.memory_space<hbm>>
      %dma_wait3A_72 = tpu.memref_squeeze %dma_wait3A_71 : memref<1x128xi32, #tpu.memory_space<hbm>> -> memref<128xi32, #tpu.memory_space<hbm>>
      tpu.wait_dma2 semaphore(%run_scoped3A : memref<!tpu.dma_semaphore, #tpu.memory_space<semaphore_mem>>) src(%dma_wait3A_72 : memref<128xi32, #tpu.memory_space<hbm>>) dst(%arg5 : memref<128xi32, #tpu.memory_space<vmem>>)
      tpu.yield
    }) : () -> ()
    %dma_start3A = arith.constant 0 : i32
    %dma_start3A_35 = arith.constant 0 : i32
    %dma_start3A_36 = tpu.memref_slice %arg3[%dma_start3A, %dma_start3A_35] : memref<100000x128xf32, #tpu.memory_space<hbm>> -> memref<100000x128xf32, #tpu.memory_space<hbm>>
    tpu.enqueue_indirect_dma source(%dma_start3A_36 : memref<100000x128xf32, #tpu.memory_space<hbm>>) target(%arg7 : memref<128x128xf32, #tpu.memory_space<vmem>>) offsets(%arg5 : memref<128xi32, #tpu.memory_space<vmem>>) semaphore(%arg9 : memref<!tpu.dma_semaphore, #tpu.memory_space<semaphore_mem>>)
    %add3A_37 = arith.constant 128 : i32
    %add3A_38 = arith.addi %mul3A_32, %add3A_37 : i32
    "tpu.region"() ({
      %run_scoped3A = tpu.sem_alloc : memref<!tpu.dma_semaphore, #tpu.memory_space<semaphore_mem>>
      %dma_start3A_65 = tpu.memref_slice %arg2[%select_n3A, %add3A_38] : memref<4x2048xi32, #tpu.memory_space<hbm>> -> memref<1x128xi32, #tpu.memory_space<hbm>>
      %dma_start3A_66 = tpu.memref_squeeze %dma_start3A_65 : memref<1x128xi32, #tpu.memory_space<hbm>> -> memref<128xi32, #tpu.memory_space<hbm>>
      %dma_start3A_67 = tpu.memref_slice %arg2[%select_n3A, %add3A_38] : memref<4x2048xi32, #tpu.memory_space<hbm>> -> memref<1x128xi32, #tpu.memory_space<hbm>>
      %dma_start3A_68 = tpu.memref_squeeze %dma_start3A_67 : memref<1x128xi32, #tpu.memory_space<hbm>> -> memref<128xi32, #tpu.memory_space<hbm>>
      tpu.enqueue_dma source(%dma_start3A_68 : memref<128xi32, #tpu.memory_space<hbm>>) target(%arg6 : memref<128xi32, #tpu.memory_space<vmem>>) target_semaphore(%run_scoped3A : memref<!tpu.dma_semaphore, #tpu.memory_space<semaphore_mem>>)
      %dma_wait3A_69 = tpu.memref_slice %arg2[%select_n3A, %add3A_38] : memref<4x2048xi32, #tpu.memory_space<hbm>> -> memref<1x128xi32, #tpu.memory_space<hbm>>
      %dma_wait3A_70 = tpu.memref_squeeze %dma_wait3A_69 : memref<1x128xi32, #tpu.memory_space<hbm>> -> memref<128xi32, #tpu.memory_space<hbm>>
      %dma_wait3A_71 = tpu.memref_slice %arg2[%select_n3A, %add3A_38] : memref<4x2048xi32, #tpu.memory_space<hbm>> -> memref<1x128xi32, #tpu.memory_space<hbm>>
      %dma_wait3A_72 = tpu.memref_squeeze %dma_wait3A_71 : memref<1x128xi32, #tpu.memory_space<hbm>> -> memref<128xi32, #tpu.memory_space<hbm>>
      tpu.wait_dma2 semaphore(%run_scoped3A : memref<!tpu.dma_semaphore, #tpu.memory_space<semaphore_mem>>) src(%dma_wait3A_72 : memref<128xi32, #tpu.memory_space<hbm>>) dst(%arg6 : memref<128xi32, #tpu.memory_space<vmem>>)
      tpu.yield
    }) : () -> ()
    %dma_start3A_39 = arith.constant 0 : i32
    %dma_start3A_40 = arith.constant 0 : i32
    %dma_start3A_41 = tpu.memref_slice %arg3[%dma_start3A_39, %dma_start3A_40] : memref<100000x128xf32, #tpu.memory_space<hbm>> -> memref<100000x128xf32, #tpu.memory_space<hbm>>
    tpu.enqueue_indirect_dma source(%dma_start3A_41 : memref<100000x128xf32, #tpu.memory_space<hbm>>) target(%arg8 : memref<128x128xf32, #tpu.memory_space<vmem>>) offsets(%arg6 : memref<128xi32, #tpu.memory_space<vmem>>) semaphore(%arg10 : memref<!tpu.dma_semaphore, #tpu.memory_space<semaphore_mem>>)
    %dma_wait3A = arith.constant 0 : i32
    %dma_wait3A_42 = arith.constant 0 : i32
    %dma_wait3A_43 = tpu.memref_slice %arg3[%dma_wait3A, %dma_wait3A_42] : memref<100000x128xf32, #tpu.memory_space<hbm>> -> memref<100000x128xf32, #tpu.memory_space<hbm>>
    tpu.wait_indirect_dma semaphore(%arg9 : memref<!tpu.dma_semaphore, #tpu.memory_space<semaphore_mem>>) src(%dma_wait3A_43 : memref<100000x128xf32, #tpu.memory_space<hbm>>) dst(%arg7 : memref<128x128xf32, #tpu.memory_space<vmem>>)
    %dma_start3A_44 = arith.constant 0 : i32
    %dma_start3A_45 = tpu.memref_slice %arg4[%mul3A_34, %dma_start3A_44] : memref<8192x128xf32, #tpu.memory_space<hbm>> -> memref<128x128xf32, #tpu.memory_space<hbm>>
    %dma_start3A_46 = arith.constant 0 : i32
    %dma_start3A_47 = tpu.memref_slice %arg4[%mul3A_34, %dma_start3A_46] : memref<8192x128xf32, #tpu.memory_space<hbm>> -> memref<128x128xf32, #tpu.memory_space<hbm>>
    tpu.enqueue_dma source(%arg7 : memref<128x128xf32, #tpu.memory_space<vmem>>) target(%dma_start3A_47 : memref<128x128xf32, #tpu.memory_space<hbm>>) target_semaphore(%arg11 : memref<!tpu.dma_semaphore, #tpu.memory_space<semaphore_mem>>)
    %dma_wait3A_48 = arith.constant 0 : i32
    %dma_wait3A_49 = arith.constant 0 : i32
    %dma_wait3A_50 = tpu.memref_slice %arg3[%dma_wait3A_48, %dma_wait3A_49] : memref<100000x128xf32, #tpu.memory_space<hbm>> -> memref<100000x128xf32, #tpu.memory_space<hbm>>
    tpu.wait_indirect_dma semaphore(%arg10 : memref<!tpu.dma_semaphore, #tpu.memory_space<semaphore_mem>>) src(%dma_wait3A_50 : memref<100000x128xf32, #tpu.memory_space<hbm>>) dst(%arg8 : memref<128x128xf32, #tpu.memory_space<vmem>>)
    %add3A_51 = arith.constant 128 : i32
    %add3A_52 = arith.addi %mul3A_34, %add3A_51 : i32
    %dma_start3A_53 = arith.constant 0 : i32
    %dma_start3A_54 = tpu.memref_slice %arg4[%add3A_52, %dma_start3A_53] : memref<8192x128xf32, #tpu.memory_space<hbm>> -> memref<128x128xf32, #tpu.memory_space<hbm>>
    %dma_start3A_55 = arith.constant 0 : i32
    %dma_start3A_56 = tpu.memref_slice %arg4[%add3A_52, %dma_start3A_55] : memref<8192x128xf32, #tpu.memory_space<hbm>> -> memref<128x128xf32, #tpu.memory_space<hbm>>
    tpu.enqueue_dma source(%arg8 : memref<128x128xf32, #tpu.memory_space<vmem>>) target(%dma_start3A_56 : memref<128x128xf32, #tpu.memory_space<hbm>>) target_semaphore(%arg11 : memref<!tpu.dma_semaphore, #tpu.memory_space<semaphore_mem>>)
    %dma_wait3A_57 = arith.constant 0 : i32
    %dma_wait3A_58 = tpu.memref_slice %arg4[%mul3A_34, %dma_wait3A_57] : memref<8192x128xf32, #tpu.memory_space<hbm>> -> memref<128x128xf32, #tpu.memory_space<hbm>>
    %dma_wait3A_59 = arith.constant 0 : i32
    %dma_wait3A_60 = tpu.memref_slice %arg4[%mul3A_34, %dma_wait3A_59] : memref<8192x128xf32, #tpu.memory_space<hbm>> -> memref<128x128xf32, #tpu.memory_space<hbm>>
    tpu.wait_dma2 semaphore(%arg11 : memref<!tpu.dma_semaphore, #tpu.memory_space<semaphore_mem>>) src(%arg7 : memref<128x128xf32, #tpu.memory_space<vmem>>) dst(%dma_wait3A_60 : memref<128x128xf32, #tpu.memory_space<hbm>>)
    %dma_wait3A_61 = arith.constant 0 : i32
    %dma_wait3A_62 = tpu.memref_slice %arg4[%add3A_52, %dma_wait3A_61] : memref<8192x128xf32, #tpu.memory_space<hbm>> -> memref<128x128xf32, #tpu.memory_space<hbm>>
    %dma_wait3A_63 = arith.constant 0 : i32
    %dma_wait3A_64 = tpu.memref_slice %arg4[%add3A_52, %dma_wait3A_63] : memref<8192x128xf32, #tpu.memory_space<hbm>> -> memref<128x128xf32, #tpu.memory_space<hbm>>
    tpu.wait_dma2 semaphore(%arg11 : memref<!tpu.dma_semaphore, #tpu.memory_space<semaphore_mem>>) src(%arg8 : memref<128x128xf32, #tpu.memory_space<vmem>>) dst(%dma_wait3A_64 : memref<128x128xf32, #tpu.memory_space<hbm>>)
    return
  }
}

module attributes {stable_mosaic.version = 14 : i64} {
  func.func @_tc_body(%arg0: i32, %arg1: memref<2048x128xf32, #tpu.memory_space<vmem>>, %arg2: memref<2048x128xf32, #tpu.memory_space<vmem>>, %arg3: memref<2x128xf32, #tpu.memory_space<vmem>>, %arg4: memref<1x128xf32, #tpu.memory_space<vmem>>, %arg5: memref<1x128xf32, #tpu.memory_space<vmem>>, %arg6: memref<128x128xf32, #tpu.memory_space<vmem>>, %arg7: memref<1x128xf32, #tpu.memory_space<vmem>>, %arg8: memref<2048x128xf32, #tpu.memory_space<vmem>>) attributes {dimension_semantics = [#tpu.dimension_semantics<arbitrary>], iteration_bounds = array<i64: 4>, scalar_prefetch = 0 : i64, scratch_operands = 0 : i64, tpu.core_type = #tpu.core_type<tc>, window_params = [{transform_indices = @transform_0, window_bounds = array<i64: 2048, 128>}, {pipeline_mode = #tpu.pipeline_mode<synchronous>, transform_indices = @transform_1, window_bounds = array<i64: 2048, 128>}, {pipeline_mode = #tpu.pipeline_mode<synchronous>, transform_indices = @transform_2, window_bounds = array<i64: 2, 128>}, {pipeline_mode = #tpu.pipeline_mode<synchronous>, transform_indices = @transform_3, window_bounds = array<i64: 1, 128>}, {pipeline_mode = #tpu.pipeline_mode<synchronous>, transform_indices = @transform_4, window_bounds = array<i64: 1, 128>}, {pipeline_mode = #tpu.pipeline_mode<synchronous>, transform_indices = @transform_5, window_bounds = array<i64: 128, 128>}, {pipeline_mode = #tpu.pipeline_mode<synchronous>, transform_indices = @transform_6, window_bounds = array<i64: 1, 128>}, {transform_indices = @transform_7, window_bounds = array<i64: 2048, 128>}]} {
    %rem3A = arith.constant 1 : i32
    %rem3A_0 = arith.remsi %arg0, %rem3A : i32
    %mul3A = arith.constant 2048 : i32
    %mul3A_1 = arith.muli %rem3A_0, %mul3A : i32
    %get3A = arith.constant 0 : index
    %get3A_2 = arith.constant 0 : index
    %get3A_3 = vector.load %arg1[%get3A, %get3A_2] : memref<2048x128xf32, #tpu.memory_space<vmem>>, vector<2048x128xf32>
    %get3A_4 = arith.index_cast %mul3A_1 : i32 to index
    %get3A_5 = arith.constant 0 : index
    %get3A_6 = vector.load %arg2[%get3A_4, %get3A_5] : memref<2048x128xf32, #tpu.memory_space<vmem>>, vector<2048x128xf32>
    %add3A = arith.addf %get3A_3, %get3A_6 : vector<2048x128xf32>
    %get3A_7 = arith.constant 0 : index
    %get3A_8 = arith.constant 0 : index
    %get3A_9 = vector.load %arg3[%get3A_7, %get3A_8] : memref<2x128xf32, #tpu.memory_space<vmem>>, vector<1x128xf32>
    %add3A_10 = vector.broadcast %get3A_9 : vector<1x128xf32> to vector<2048x128xf32>
    %add3A_11 = arith.addf %add3A, %add3A_10 : vector<2048x128xf32>
    %reduce_sum3A = arith.constant dense<0.000000e+00> : vector<2048xf32>
    %reduce_sum3A_12 = vector.multi_reduction <add>, %add3A_11, %reduce_sum3A [1] : vector<2048x128xf32> to vector<2048xf32>
    %broadcast_in_dim3A = vector.shape_cast %reduce_sum3A_12 : vector<2048xf32> to vector<2048x1xf32>
    %div3A = arith.constant 1.280000e+02 : f32
    %div3A_13 = vector.broadcast %div3A : f32 to vector<2048x1xf32>
    %div3A_14 = arith.divf %broadcast_in_dim3A, %div3A_13 : vector<2048x1xf32>
    %sub3A = vector.broadcast %div3A_14 : vector<2048x1xf32> to vector<2048x128xf32>
    %sub3A_15 = arith.subf %add3A_11, %sub3A : vector<2048x128xf32>
    %mul3A_16 = arith.mulf %sub3A_15, %sub3A_15 : vector<2048x128xf32>
    %reduce_sum3A_17 = arith.constant dense<0.000000e+00> : vector<2048xf32>
    %reduce_sum3A_18 = vector.multi_reduction <add>, %mul3A_16, %reduce_sum3A_17 [1] : vector<2048x128xf32> to vector<2048xf32>
    %broadcast_in_dim3A_19 = vector.shape_cast %reduce_sum3A_18 : vector<2048xf32> to vector<2048x1xf32>
    %div3A_20 = arith.constant 1.280000e+02 : f32
    %div3A_21 = vector.broadcast %div3A_20 : f32 to vector<2048x1xf32>
    %div3A_22 = arith.divf %broadcast_in_dim3A_19, %div3A_21 : vector<2048x1xf32>
    %add3A_23 = arith.constant 9.99999996E-13 : f32
    %add3A_24 = vector.broadcast %add3A_23 : f32 to vector<2048x1xf32>
    %add3A_25 = arith.addf %div3A_22, %add3A_24 : vector<2048x1xf32>
    %rsqrt3A = math.rsqrt %add3A_25 : vector<2048x1xf32>
    %mul3A_26 = vector.broadcast %rsqrt3A : vector<2048x1xf32> to vector<2048x128xf32>
    %mul3A_27 = arith.mulf %sub3A_15, %mul3A_26 : vector<2048x128xf32>
    %get3A_28 = arith.constant 0 : index
    %get3A_29 = arith.constant 0 : index
    %get3A_30 = vector.load %arg4[%get3A_28, %get3A_29] : memref<1x128xf32, #tpu.memory_space<vmem>>, vector<1x128xf32>
    %mul3A_31 = vector.broadcast %get3A_30 : vector<1x128xf32> to vector<2048x128xf32>
    %mul3A_32 = arith.mulf %mul3A_27, %mul3A_31 : vector<2048x128xf32>
    %get3A_33 = arith.constant 0 : index
    %get3A_34 = arith.constant 0 : index
    %get3A_35 = vector.load %arg5[%get3A_33, %get3A_34] : memref<1x128xf32, #tpu.memory_space<vmem>>, vector<1x128xf32>
    %add3A_36 = vector.broadcast %get3A_35 : vector<1x128xf32> to vector<2048x128xf32>
    %add3A_37 = arith.addf %mul3A_32, %add3A_36 : vector<2048x128xf32>
    %get3A_38 = arith.constant 0 : index
    %get3A_39 = arith.constant 0 : index
    %get3A_40 = vector.load %arg6[%get3A_38, %get3A_39] : memref<128x128xf32, #tpu.memory_space<vmem>>, vector<128x128xf32>
    %dot_general3A = arith.constant dense<0.000000e+00> : vector<2048x128xf32>
    %dot_general3A_41 = tpu.matmul %add3A_37, %get3A_40, %dot_general3A {dimension_numbers = #tpu.dot_dimension_numbers<[1], [1], [0], [0], [0, 0, 1, 0], [], []>, transpose_lhs_hint = false} : vector<2048x128xf32>, vector<128x128xf32>, vector<2048x128xf32> -> vector<2048x128xf32>
    %get3A_42 = arith.constant 0 : index
    %get3A_43 = arith.constant 0 : index
    %get3A_44 = vector.load %arg7[%get3A_42, %get3A_43] : memref<1x128xf32, #tpu.memory_space<vmem>>, vector<1x128xf32>
    %add3A_45 = vector.broadcast %get3A_44 : vector<1x128xf32> to vector<2048x128xf32>
    %add3A_46 = arith.addf %dot_general3A_41, %add3A_45 : vector<2048x128xf32>
    %swap3A = arith.constant 0 : index
    %swap3A_47 = arith.constant 0 : index
    %swap3A_48 = vector.load %arg8[%swap3A, %swap3A_47] : memref<2048x128xf32, #tpu.memory_space<vmem>>, vector<2048x128xf32>
    tpu.vector_store %arg8[%swap3A, %swap3A_47], %add3A_46 {strides = array<i32>} : memref<2048x128xf32, #tpu.memory_space<vmem>>, vector<2048x128xf32>,
    return
  }
  func.func @transform_0(%arg0: i32) -> (i32, i32) {
    %c0_i32 = arith.constant 0 : i32
    %c0_i32_0 = arith.constant 0 : i32
    return %arg0, %c0_i32 : i32, i32
  }
  func.func @transform_1(%arg0: i32) -> (i32, i32) {
    %c0_i32 = arith.constant 0 : i32
    %c0_i32_0 = arith.constant 0 : i32
    %c0_i32_1 = arith.constant 0 : i32
    return %c0_i32, %c0_i32_0 : i32, i32
  }
  func.func @transform_2(%arg0: i32) -> (i32, i32) {
    %c0_i32 = arith.constant 0 : i32
    %c0_i32_0 = arith.constant 0 : i32
    %c0_i32_1 = arith.constant 0 : i32
    return %c0_i32, %c0_i32_0 : i32, i32
  }
  func.func @transform_3(%arg0: i32) -> (i32, i32) {
    %c0_i32 = arith.constant 0 : i32
    %c0_i32_0 = arith.constant 0 : i32
    %c0_i32_1 = arith.constant 0 : i32
    return %c0_i32, %c0_i32_0 : i32, i32
  }
  func.func @transform_4(%arg0: i32) -> (i32, i32) {
    %c0_i32 = arith.constant 0 : i32
    %c0_i32_0 = arith.constant 0 : i32
    %c0_i32_1 = arith.constant 0 : i32
    return %c0_i32, %c0_i32_0 : i32, i32
  }
  func.func @transform_5(%arg0: i32) -> (i32, i32) {
    %c0_i32 = arith.constant 0 : i32
    %c0_i32_0 = arith.constant 0 : i32
    %c0_i32_1 = arith.constant 0 : i32
    return %c0_i32, %c0_i32_0 : i32, i32
  }
  func.func @transform_6(%arg0: i32) -> (i32, i32) {
    %c0_i32 = arith.constant 0 : i32
    %c0_i32_0 = arith.constant 0 : i32
    %c0_i32_1 = arith.constant 0 : i32
    return %c0_i32, %c0_i32_0 : i32, i32
  }
  func.func @transform_7(%arg0: i32) -> (i32, i32) {
    %c0_i32 = arith.constant 0 : i32
    %c0_i32_0 = arith.constant 0 : i32
    return %arg0, %c0_i32 : i32, i32
  }
}

</mosaic_0001>

<sc_bundles>
// kernel: kernel.4.cloned.1.call-start
scs
__scs_entry_jumppad:
0x0: {  	(pc) =	sbr.rel $0x88, $3  }
0x1: {  	(tag) =	ssettag $0x0;
	lr =	simm.s32 $0x1  }
0x2: {  	[smem:$0x3F99] =	sst lr;
	_ =	strace $0xD0000000  }
0x3: {  	_ = 	snop  }
0x4: {  	_ = 	snop  }
0x5: {  	_ = 	snop  }
0x6: {  	_ = 	snop  }
0x7: {  	_ = 	snop  }
__scs_overlays_trampoline_lowered:
0x8: {  	[smem:$0x3FA8] =	sst s0  }
0x9: {  	[smem:$0x3FA9] =	sst s1  }
0xa: {  	[smem:$0x3FAA] =	sst s2  }
0xb: {  	[smem:$0x3FAB] =	sst s3  }
0xc: {  	[smem:$0x3FAC] =	sst s4  }
0xd: {  	[smem:$0x3FAD] =	sst s5  }
0xe: {  	[smem:$0x3FAE] =	sst s6  }
0xf: {  	[smem:$0x3FAF] =	sst s7  }
0x10: {  	[smem:$0x3FB0] =	sst s8  }
0x11: {  	[smem:$0x3FB1] =	sst s9;
	s0 =	simm.s32 @!p0 $0x0  }
0x12: {  	s1 =	sld [smem:$0x3F97];
	s0 =	simm.s32 @p0 $0x1  }
0x13: {  	[smem:$0x3FB2] =	sst s0;
	s0 =	simm.s32 @!p1 $0x0  }
0x14: {  	s2 =	sld [smem:$0x3F96];
	s0 =	simm.s32 @p1 $0x1  }
0x15: {  	[smem:$0x3FB3] =	sst s0;
	s0 =	simm.s32 @!p2 $0x0  }
0x16: {  	s3 =	sld [smem:$0x3FDB];
	s0 =	simm.s32 @p2 $0x1  }
0x17: {  	s4 =	simm.s32 $0x1BF5;
	[smem:$0x3FB5] =	sst s0  }
0x18: {  	s0 =	sld [smem:$0x3F98];
	_ =	swait.ge [sflag:s4], $0x0  }
0x19: {  	s7 =	sld [smem:$0x3F99]  }
0x1a: {  	s8 =	sadd.s32 $0xFFFFE003, lr  }
0x1b: {  	s9 =	sadd.s32 $0xFFFFFEF7, lr;
	s5 =	simm.s32 $0xFFFFFFFF;
	p2 =	slt.u32 s8, $0xFFFFF086  }
0x1c: {  	p1 =	slt.u32 s9, $0xF7A;
	s5 =	simm.s32 @!p2 $0x0  }
0x1d: {  	s5 =	simm.s32 @p1 $0x1;
	p0 =	seq.s32 s7, s2  }
0x1e: {  	s7 =	smul.u32 @!p0 $0xF7A, s2;
	p2 =	seq.s32 @!p0 s5, $0x0  }
0x1f: {  	s9 =	smul.u32 $0xF7A, s1;
	s8 =	simm.s32 @!p0 $0x1BF5;
	p2 =	por !p2, p0  }
0x20: {  	[sflag:s8] =	ssyncset.s32 @!p0 $0xFFFFF086;
	s6 =	sadd.s32 @!p0 s3, s7;
	s7 =	simm.s32 @!p0 $0x108  }
0x21: {  	s3 =	sadd.s32 s3, s9;
	s6 =	sadd.s32 @!p0 $0x88, s6;
	s7 =	simm.s32 @p2 $0x1082  }
0x22: {  	[simem:s7], [sflag:s8] =	dma.local @!p0 [hbm:s6], $0xF7A  }
0x23: {  	s9 =	sor.u32 $0xD0000000, s2;
	s6 =	simm.s32 $0x108;
	_ =	swait.ge @!p0 [sflag:s8], $0x0  }
0x24: {  	s3 =	sadd.s32 $0x88, s3;
	s6 =	simm.s32 @!p1 $0x1082;
	[sflag:s4] =	ssyncset.s32 $0xFFFFF086  }
0x25: {  	[simem:s6], [sflag:s4] =	dma.local [hbm:s3], $0xF7A  }
0x26: {  	[smem:$0x3F99] =	sst s1;
	(tag) =	ssettag s2;
	_ =	strace s9  }
0x27: {  	s1 =	sld [smem:$0x3FA9]  }
0x28: {  	s2 =	sld [smem:$0x3FAA]  }
0x29: {  	s4 =	sld [smem:$0x3FAC]  }
0x2a: {  	p0 =	seq.s32 s5, $0x0;
	s5 =	sld [smem:$0x3FAD]  }
0x2b: {  	s6 =	sld [smem:$0x3FAE]  }
0x2c: {  	s7 =	sld [smem:$0x3FAF]  }
0x2d: {  	s3 =	simm.s32 $0x108;
	s8 =	sld [smem:$0x3FB0]  }
0x2e: {  	s3 =	simm.s32 @!p0 $0x1082;
	s9 =	sld [smem:$0x3FB1]  }
0x2f: {  	lr =	sadd.s32 s0, s3;
	s0 =	sld [smem:$0x3FA8]  }
0x30: {  	s3 =	sld [smem:$0x3FAB]  }
0x31: {  	[smem:$0x3FB4] =	sst s10  }
0x32: {  	s10 =	sld [smem:$0x3FB2];
	_ =	sdelay $0x3  }
0x33: {  	p0 =	seq.s32 s10, $0x1;
	s10 =	sld [smem:$0x3FB4];
	_ =	sdelay $0x3  }
0x34: {  	[smem:$0x3FB4] =	sst s10  }
0x35: {  	s10 =	sld [smem:$0x3FB3];
	_ =	sdelay $0x3  }
0x36: {  	p1 =	seq.s32 s10, $0x1;
	s10 =	sld [smem:$0x3FB4];
	_ =	sdelay $0x3  }
0x37: {  	[smem:$0x3FB4] =	sst s10  }
0x38: {  	s10 =	sld [smem:$0x3FB5]  }
0x39: {  	_ = 	snop;
	(pc) =	sbr.ind lr, $3  }
0x3a: {  	_ = 	snop  }
0x3b: {  	_ = 	snop  }
0x3c: {  	p2 =	seq.s32 s10, $0x1;
	s10 =	sld [smem:$0x3FB4]  }
0x3d: {  	_ =	shalt  }
0x3e: {  	_ =	shalt  }
0x3f: {  	_ =	shalt  }
0x40: {  	_ =	shalt  }
0x41: {  	_ =	shalt  }
0x42: {  	_ =	shalt  }
0x43: {  	_ =	shalt  }
0x44: {  	_ =	shalt  }
0x45: {  	_ =	shalt  }
0x46: {  	_ =	shalt  }
0x47: {  	_ =	shalt  }
0x48: {  	_ =	shalt  }
0x49: {  	_ =	shalt  }
0x4a: {  	_ =	shalt  }
0x4b: {  	_ =	shalt  }
0x4c: {  	_ =	shalt  }
0x4d: {  	_ =	shalt  }
0x4e: {  	_ =	shalt  }
0x4f: {  	_ =	shalt  }
0x50: {  	_ =	shalt  }
0x51: {  	_ =	shalt  }
0x52: {  	_ =	shalt  }
0x53: {  	_ =	shalt  }
0x54: {  	_ =	shalt  }
0x55: {  	_ =	shalt  }
0x56: {  	_ =	shalt  }
0x57: {  	_ =	shalt  }
0x58: {  	_ =	shalt  }
0x59: {  	_ =	shalt  }
0x5a: {  	_ =	shalt  }
0x5b: {  	_ =	shalt  }
0x5c: {  	_ =	shalt  }
0x5d: {  	_ =	shalt  }
0x5e: {  	_ =	shalt  }
0x5f: {  	_ =	shalt  }
0x60: {  	_ =	shalt  }
0x61: {  	_ =	shalt  }
0x62: {  	_ =	shalt  }
0x63: {  	_ =	shalt  }
0x64: {  	_ =	shalt  }
0x65: {  	_ =	shalt  }
0x66: {  	_ =	shalt  }
0x67: {  	_ =	shalt  }
0x68: {  	_ =	shalt  }
0x69: {  	_ =	shalt  }
0x6a: {  	_ =	shalt  }
0x6b: {  	_ =	shalt  }
0x6c: {  	_ =	shalt  }
0x6d: {  	_ =	shalt  }
0x6e: {  	_ =	shalt  }
0x6f: {  	_ =	shalt  }
0x70: {  	_ =	shalt  }
0x71: {  	_ =	shalt  }
0x72: {  	_ =	shalt  }
0x73: {  	_ =	shalt  }
0x74: {  	_ =	shalt  }
0x75: {  	_ =	shalt  }
0x76: {  	_ =	shalt  }
0x77: {  	_ =	shalt  }
0x78: {  	_ =	shalt  }
0x79: {  	_ =	shalt  }
0x7a: {  	_ =	shalt  }
0x7b: {  	_ =	shalt  }
0x7c: {  	_ =	shalt  }
0x7d: {  	_ =	shalt  }
0x7e: {  	_ =	shalt  }
0x7f: {  	_ =	shalt  }
0x80: {  	_ =	shalt  }
0x81: {  	_ =	shalt  }
0x82: {  	_ =	shalt  }
0x83: {  	_ =	shalt  }
0x84: {  	_ =	shalt  }
0x85: {  	_ =	shalt  }
0x86: {  	_ =	shalt  }
0x87: {  	_ =	shalt  }
.Lfunc_end0:
.L_simem_size_0:
called_computation_lowered:
.L_overlay_start_0:
0x88: {  	s2 =	sld [smem:$0x3FD9]  }
0x89: {  	s3 =	sld [smem:$0x3FFE];
	_ =	sdelay $0x1  }
0x8a: {  	s1 =	srdreg.scid  }
0x8b: {  	s0 =	sand.u32 $0x1, s1  }
0x8c: {  	s18 =	sshll.u32 s0, $0xA;
	s2 =	sadd.s32 s3, s2  }
0x8d: {  	s2 =	sadd.s32 s2, s18  }
0x8e: {  	[smem:$0x3FC0] =	sst s2  }
0x8f: {  	_ = 	snop  }
0x90: {  	s2 =	sld [smem:$0x3FC9]  }
0x91: {  	s19 =	sld [smem:$0x3FC8]  }
0x92: {  	s4 =	sld [smem:$0x3FD0];
	(tm) =	ssettm $0x1  }
0x93: {  	s5 =	sld [smem:$0x3FFB];
	_ =	sdelay $0x3  }
0x94: {  	_ =	strace s5  }
0x95: {  	s5 =	sld [smem:$0x3FFC];
	_ =	sdelay $0x3  }
0x96: {  	_ =	strace s5  }
0x97: {  	s5 =	sld [smem:$0x3FFD];
	_ =	sdelay $0x3  }
0x98: {  	_ =	strace s5  }
0x99: {  	_ =	strace $0x8FFFFFFF  }
0x9a: {  	s20 =	sld [smem:$0x3FDB];
	_ =	sdelay $0x1  }
0x9b: {  	s6 =	simm.s32 $_scs_section_size  }
0x9c: {  	s7 =	simm.s32 $_size__tile_overlayer_lowered;
	s8 =	simm.s32 $_tile_overlayer_lowered  }
0x9d: {  	s23 =	simm.s32 $0x1BFF;
	s22 =	sshll.u32 s8, $0x1;
	s5 =	sadd.s32 s6, s20  }
0x9e: {  	s9 =	simm.s32 $0x0;
	s21 =	sshll.u32 s7, $0x1;
	s7 =	sadd.s32 s22, s5  }
0x9f: {  	[timem:s9], [sflag:s23] =	dma.local [hbm:s7], s21  }
0xa0: {  	_ =	swait.ge [sflag:s23], s21  }
0xa1: {  	s6 =	ssub.s32 $0x0, s21;
	[sflag:s23] =	ssyncset.done $0x0  }
0xa2: {  	[sflag:s23] =	ssyncadd.s32 s6;
	_ =	sdelay $0x1  }
0xa3: {  	s24 =	simm.s32 $0x1B8B  }
0xa4: {  	_ =	swait.ge [sflag:s24], $0x1  }
0xa5: {  	[sflag:s24] =	ssyncset.done $0x0  }
0xa6: {  	s25 =	simm.s32 $0x1B8E;
	[sflag:s24] =	ssyncadd.s32 $0xFFFFFFFF  }
0xa7: {  	s26 =	simm.s32 $execute0_lowered;
	[smem:$0x3FD2] =	sst s25  }
0xa8: {  	s6 =	sshll.u32 s26, $0x1;
	_ =	strace $0x80000046;
	[dreg:$0x1] =	wrdreg $0xFFFFFFFF  }
0xa9: {  	s28 =	simm.s32 $_size_execute0_lowered;
	s5 =	sadd.s32 s5, s6;
	[dreg:$0x0] =	wrdreg $0x0  }
0xaa: {  	s6 =	sshll.u32 s28, $0x1;
	[dreg:$0x2] =	wrdreg s5  }
0xab: {  	[dreg:$0x3] =	wrdreg s6  }
0xac: {  	[dreg:$0x4] =	wrdreg $0xC0  }
0xad: {  	_ =	task [dreg:s9], $0x5FFFF  }
0xae: {  	[dreg:$0x1] =	wrdreg $0xFFFFFFFF  }
0xaf: {  	[dreg:$0x0] =	wrdreg $0x60  }
0xb0: {  	[dreg:$0x2] =	wrdreg s2  }
0xb1: {  	[dreg:$0x3] =	wrdreg s19  }
0xb2: {  	[dreg:$0x4] =	wrdreg s4  }
0xb3: {  	[dreg:$0x5] =	wrdreg $0x9  }
0xb4: {  	_ =	task.clear_ibuf [dreg:s9], $0x6FFFF;
	_ =	strace $0x90000046  }
0xb5: {  	s29 =	simm.s32 $0x9;
	_ =	strace $0x80000048  }
0xb6: {  	_ =	swait.ge [sflag:s29], $0x1  }
0xb7: {  	[sflag:s29] =	ssyncadd.s32 $0xFFFFFFFF  }
0xb8: {  	_ =	strace $0x90000048  }
0xb9: {  	_ =	sfence  }
0xba: {  	s30 =	sld [smem:$0x0];
	_ =	sdelay $0x2  }
0xbb: {  	s31 =	sshll.u32 s1, $0xD;
	s1 =	sshrl.u32 s1, $0x2  }
0xbc: {  	s3 =	sand.u32 $0x4000, s31;
	s1 =	sadd.s32 s1, s30  }
0xbd: {  	s0 =	sor.u32 s3, s0;
	s1 =	sshll.u32 s1, $0x11  }
0xbe: {  	s0 =	sor.u32 s1, s0  }
0xbf: {  	s0 =	sadd.s32 $0x8F2B, s0  }
0xc0: {  	[sflag:s0] =	ssyncadd.remote.s32 $0x1  }
0xc1: {  	_ =	sfence.sel $0xFFFF  }
0xc2: {  	[dreg:$0x0] =	wrdreg $0xFFFFFFFF;
	(pc) =	sbr.abs _section_cstart, $3  }
0xc3: {  	[dreg:$0x1] =	wrdreg $0xFFFFFFFF  }
0xc4: {  	_ =	task.clear_ibuf [dreg:s9], $0x2FFFF;
	_ =	strace $0x9FFFFFFF  }
0xc5: {  	(tm) =	ssettm $0x7FFFFFFF  }
tec
execute0_lowered:
.L_overlay_start_1:
0x0: {  	(tag) =	ssettag $0x1  }
0x1: {  	s1 =	srdreg.scid;
	s0 =	stileid.u32  }
0x2: {  	s4 =	rddreg [dreg:$0x0];
	s13 =	sand.u32 $0x1, s1;
	s31 =	sshll.u32 s0, $0x1  }
0x3: {  	s2 =	rddreg [dreg:$0x1];
	s11 =	sor.u32 s13, s31  }
0x4: {  	s12 =	rddreg [dreg:$0x2];
	s6 =	sshll.u32 s0, $0x2;
	s5 =	sshll.u32 s11, $0x7  }
0x5: {  	s3 =	simm.s32 $0x0;
	s1 =	rddreg [dreg:$0x3];
	s5 =	sor.u32 s6, s5  }
0x6: {  	[smem:$0x7FF] =	sst s3;
	s5 =	sand.u32 $0x3B0, s5  }
0x7: {  	_ =	strace $0x80000047;
	s4 =	sadd.s32 s4, s5;
	s5 =	simm.s32 $0x4  }
0x8: {  	[tilespmem:s3], [sflag:$0x4] =	stream.linear.gather [hbm4b:s4+s3], $0x80, $0x38;
	[tilespmem:$0x8100] =	vst v63  }
0x9: {  	_ =	swait.ge [sflag:s5], $0x80  }
0xa: {  	[sflag:s5] =	ssyncset.done $0x0  }
0xb: {  	s7 =	simm.s32 $0x100;
	s6 =	simm.s32 $0x80;
	[sflag:s5] =	ssyncadd.s32 $0xFFFFFF80  }
0xc: {  	[tilespmem:s7], [sflag:$0x1] =	stream.indirect.gather [hbm4b:s2+s6], $0x80, s3, s6, $0xb8;
	[tilespmem:$0x8100] =	vst v63  }
0xd: {  	s8 =	sadd.s32 $0x40, s4  }
0xe: {  	[tilespmem:s6], [sflag:$0x4] =	stream.linear.gather [hbm4b:s8+s3], $0x80, $0x38;
	[tilespmem:$0x8100] =	vst v63  }
0xf: {  	_ =	swait.ge [sflag:s5], $0x80  }
0x10: {  	[sflag:s5] =	ssyncset.done $0x0  }
0x11: {  	s9 =	simm.s32 $0x4100;
	s10 =	simm.s32 $0x1;
	[sflag:s5] =	ssyncadd.s32 $0xFFFFFF80  }
0x12: {  	[tilespmem:s9], [sflag:$0x2] =	stream.indirect.gather [hbm4b:s2+s6], $0x80, s6, s6, $0xb8;
	[tilespmem:$0x8100] =	vst v63  }
0x13: {  	s15 =	ssub.s32 $0x2, s13;
	_ =	swait.ge [sflag:s10], $0x4000  }
0x14: {  	s11 =	sshll.u32 s11, $0xC;
	s16 =	sshrl.u32 s15, $0x1;
	[sflag:s10] =	ssyncset.done $0x0  }
0x15: {  	s11 =	sadd.s32 s12, s11;
	s12 =	simm.s32 $0x2;
	[sflag:s10] =	ssyncadd.s32 $0xFFFFC000  }
0x16: {  	[hbm4b:s11+s3] =	stream.linear.scatter [tilespmem:s7], [sflag:$0x3], $0x4000, $0x38;
	[tilespmem:$0x8100] =	vst v63  }
0x17: {  	s15 =	ssub.s32 s15, s16;
	_ =	swait.ge [sflag:s12], $0x4000  }
0x18: {  	s13 =	simm.s32 $0x3;
	s15 =	smax.u32 s15, $0x1;
	[sflag:s12] =	ssyncset.done $0x0  }
0x19: {  	s14 =	sadd.s32 $0x800, s11;
	p0 =	sne.s32 s15, $0x1;
	[sflag:s12] =	ssyncadd.s32 $0xFFFFC000  }
0x1a: {  	[hbm4b:s14+s3] =	stream.linear.scatter [tilespmem:s9], [sflag:$0x3], $0x4000, $0x38;
	[tilespmem:$0x8100] =	vst v63  }
.Ltmp0:
0x1b: {  	_ =	swait.ge [sflag:s13], $0x4000;
	(pc) =	sbr.rel @!p0 .LBB2_2-.Ltmp0, $4  }
0x1c: {  	[sflag:s13] =	ssyncset.done $0x0  }
0x1d: {  	[sflag:s13] =	ssyncadd.s32 $0xFFFFC000  }
0x1e: {  	_ =	swait.ge [sflag:s13], $0x4000  }
0x1f: {  	s15 =	sadd.s32 $0xFFFFFFFF, s15;
	[sflag:s13] =	ssyncset.done $0x0  }
.LBB2_1:
0x20: {  	p0 =	sne.s32 s15, $0x1;
	s15 =	sadd.s32 $0xFFFFFFFF, s15;
	[sflag:s13] =	ssyncadd.s32 $0xFFFFC000  }
0x21: {  	[tilespmem:s3], [sflag:$0x4] =	stream.linear.gather [hbm4b:s4+s3], $0x80, $0x38;
	[tilespmem:$0x8100] =	vst v63  }
0x22: {  	_ =	swait.ge [sflag:s5], $0x80  }
0x23: {  	[sflag:s5] =	ssyncset.done $0x0  }
0x24: {  	[sflag:s5] =	ssyncadd.s32 $0xFFFFFF80  }
0x25: {  	[tilespmem:s7], [sflag:$0x1] =	stream.indirect.gather [hbm4b:s2+s6], $0x80, s3, s6, $0xb8;
	[tilespmem:$0x8100] =	vst v63  }
0x26: {  	_ = 	snop  }
0x27: {  	[tilespmem:s6], [sflag:$0x4] =	stream.linear.gather [hbm4b:s8+s3], $0x80, $0x38;
	[tilespmem:$0x8100] =	vst v63  }
0x28: {  	_ =	swait.ge [sflag:s5], $0x80  }
0x29: {  	[sflag:s5] =	ssyncset.done $0x0  }
0x2a: {  	[sflag:s5] =	ssyncadd.s32 $0xFFFFFF80  }
0x2b: {  	[tilespmem:s9], [sflag:$0x2] =	stream.indirect.gather [hbm4b:s2+s6], $0x80, s6, s6, $0xb8;
	[tilespmem:$0x8100] =	vst v63  }
0x2c: {  	_ =	swait.ge [sflag:s10], $0x4000  }
0x2d: {  	[sflag:s10] =	ssyncset.done $0x0  }
0x2e: {  	[sflag:s10] =	ssyncadd.s32 $0xFFFFC000  }
0x2f: {  	[hbm4b:s11+s3] =	stream.linear.scatter [tilespmem:s7], [sflag:$0x3], $0x4000, $0x38;
	[tilespmem:$0x8100] =	vst v63  }
0x30: {  	_ =	swait.ge [sflag:s12], $0x4000  }
0x31: {  	[sflag:s12] =	ssyncset.done $0x0  }
0x32: {  	[sflag:s12] =	ssyncadd.s32 $0xFFFFC000  }
0x33: {  	[hbm4b:s14+s3] =	stream.linear.scatter [tilespmem:s9], [sflag:$0x3], $0x4000, $0x38;
	[tilespmem:$0x8100] =	vst v63  }
.Ltmp1:
0x34: {  	_ =	swait.ge [sflag:s13], $0x4000;
	(pc) =	sbr.rel @p0 .LBB2_1-.Ltmp1, $4  }
0x35: {  	[sflag:s13] =	ssyncset.done $0x0  }
0x36: {  	[sflag:s13] =	ssyncadd.s32 $0xFFFFC000  }
0x37: {  	_ =	swait.ge [sflag:s13], $0x4000  }
0x38: {  	[sflag:s13] =	ssyncset.done $0x0  }
.LBB2_2:
0x39: {  	[sflag:s13] =	ssyncadd.s32 $0xFFFFC000  }
0x3a: {  	_ =	sfence.sel $0x180000  }
0x3b: {  	[bflag:$0x0] =	sbarrier.arrive $0xFFFF  }
0x3c: {  	p0 =	sne.s32 s0, $0x0;
	_ =	strace $0x90000047  }
0x3d: {  	s0 =	sadd.s32 @!p0 $0x100000, s1;
	[bflag:$0x2] =	sbarrier.arrive $0xFFFF  }
0x3e: {  	[sflag:s0] =	ssyncadd.tile.s32 @!p0 $0x1;
	_ =	shalt  }
.Lfunc_end2:
_tile_overlayer_lowered:
.L_overlay_start_2:
0x3f: {  	(tag) =	ssettag $0x2  }
0x40: {  	s0 =	rddreg [dreg:$0x0];
	s2 =	stileid.u32  }
0x41: {  	s1 =	rddreg [dreg:$0x1];
	p0 =	sne.s32 s2, $0x0  }
0x42: {  	s3 =	rddreg [dreg:$0x2];
	[bflag:$0x3] =	sbarrier.arrive $0xFFFF;
	s2 =	simm.s32 @!p0 $0x1C04  }
0x43: {  	[timem:s3], [sflag:s2] =	dma.local @!p0 [hbm:s0], s1  }
0x44: {  	s0 =	simm.s32 @!p0 $0x4  }
0x45: {  	_ =	swait.ge @!p0 [sflag:s0], s1  }
0x46: {  	s1 =	ssub.s32 @!p0 $0x0, s1;
	[sflag:s0] =	ssyncset.done @!p0 $0x0  }
0x47: {  	[sflag:s0] =	ssyncadd.s32 @!p0 s1  }
0x48: {  	[bflag:$0x3] =	sbarrier.arrive $0xFFFF  }
0x49: {  	_ =	shalt  }

</sc_bundles>
